<compile_context>
chip_gen: v7x
topology: tpu7x:2x2x1
jax: 0.10.2.dev20260603
libtpu: 0.0.44.dev20260713+nightly
codegen_flags: <defaults>
</compile_context>

<pallas_src>
import functools

import jax
import jax.numpy as jnp
from jax import lax
from jax.experimental import pallas as pl
from jax.experimental.pallas import tpu as pltpu
from jax.experimental.pallas import tpu_sc as plsc

B = 16384
V = 20000
D = 500
W = 128
VBLK = 5000
BBLK = 2048


def _c_table_body(theta_ref, a_aug_ref, out_ref):
    acc = jnp.dot(theta_ref[...], a_aug_ref[...],
                  preferred_element_type=jnp.float32)
    col = lax.broadcasted_iota(jnp.int32, acc.shape, 1)
    out_ref[...] = jnp.where(col == 51, 1.0, acc)


def _fused_body(q_ref, p_ref, wb_ref, g_ref, out_ref):
    qsum = jnp.dot(q_ref[...], p_ref[...],
                   preferred_element_type=jnp.float32)
    s = jax.nn.sigmoid(qsum)
    s1 = jnp.concatenate(
        [s, jnp.ones((BBLK, 1), jnp.float32),
         jnp.zeros((BBLK, W - 51), jnp.float32)], axis=1)
    b = jnp.dot(s1, wb_ref[...], preferred_element_type=jnp.float32)
    col = lax.broadcasted_iota(jnp.int32, (BBLK, W), 1)
    s_aug = jnp.where(col == 51, b, s1)
    e = jnp.sum(g_ref[...] * s_aug, axis=1, keepdims=True)
    p = jnp.exp(e)
    inner = p / (1.0 + p)
    out_ref[...] = 1.0 / (1.0 + jnp.exp(-inner))


def _make_sc_gather(nc, bpw):
    mesh = plsc.VectorSubcoreMesh(core_axis_name="c", subcore_axis_name="s")

    @functools.partial(
        pl.kernel,
        mesh=mesh,
        out_type=jax.ShapeDtypeStruct((B, W), jnp.float32),
        scratch_types=[
            pltpu.VMEM((bpw,), jnp.int32),
            pltpu.VMEM((bpw, W), jnp.float32),
            pltpu.SemaphoreType.DMA,
        ],
    )
    def sc_gather(students_hbm, c_hbm, out_hbm, idx_v, g_v, sem):
        wid = lax.axis_index("s") * nc + lax.axis_index("c")
        base = wid * bpw
        pltpu.sync_copy(students_hbm.at[pl.ds(base, bpw)], idx_v)
        pltpu.async_copy(c_hbm.at[idx_v], g_v, sem).wait()
        pltpu.sync_copy(g_v, out_hbm.at[pl.ds(base, bpw)])

    return sc_gather


@jax.jit
def kernel(students, questions, Theta, A_w, A_b, B_w, B_b):
    a_aug = jnp.concatenate(
        [A_w, A_b[:, None], jnp.zeros((D, W - 51), jnp.float32)], axis=1)
    wb = jnp.concatenate(
        [B_w[0], B_b, jnp.zeros((W - 51,), jnp.float32)])[:, None]
    idx = students.astype(jnp.int32)
    qflat = questions.reshape(B, 20 * 50)
    psel = jnp.tile(jnp.eye(50, dtype=jnp.float32), (20, 1))

    c_aug = pl.pallas_call(
        _c_table_body,
        grid=(V // VBLK,),
        in_specs=[
            pl.BlockSpec((VBLK, D), lambda i: (i, 0)),
            pl.BlockSpec((D, W), lambda i: (0, 0)),
        ],
        out_specs=pl.BlockSpec((VBLK, W), lambda i: (i, 0)),
        out_shape=jax.ShapeDtypeStruct((V, W), jnp.float32),
    )(Theta, a_aug)

    info = plsc.get_sparse_core_info()
    nw = info.num_cores * info.num_subcores
    g = _make_sc_gather(info.num_cores, B // nw)(idx, c_aug)

    res = pl.pallas_call(
        _fused_body,
        grid=(B // BBLK,),
        in_specs=[
            pl.BlockSpec((BBLK, 20 * 50), lambda i: (i, 0)),
            pl.BlockSpec((20 * 50, 50), lambda i: (0, 0)),
            pl.BlockSpec((W, 1), lambda i: (0, 0)),
            pl.BlockSpec((BBLK, W), lambda i: (i, 0)),
        ],
        out_specs=pl.BlockSpec((BBLK, 1), lambda i: (i, 0)),
        out_shape=jax.ShapeDtypeStruct((B, 1), jnp.float32),
    )(qflat, psel, wb, g)
    return res

# --- scband reference (transcript-rebuilt; emitter-appended) ---
"""Pipeline reference for scband-mirt-71356586655878 (READ-ONLY COPY).

The authoritative reference and input builder live on the scoring server;
editing this copy changes nothing except your own understanding.
"""

import jax, jax.numpy as jnp
import numpy as np


def setup_inputs(seed: int = 0) -> dict:
    key = jax.random.key(seed)
    ks = jax.random.split(key, 6)
    B = 16384
    V = 20000
    D = 500
    students = jax.random.randint(ks[0], (B,), 0, V)
    questions = jax.random.normal(ks[1], (B, 20, 50), dtype=jnp.float32)
    Theta = jax.random.normal(ks[2], (V, D), dtype=jnp.float32) * 0.02
    A_w = jax.random.normal(ks[3], (D, 50), dtype=jnp.float32) * 0.05
    A_b = jnp.zeros((D,), dtype=jnp.float32)
    B_w = jax.random.normal(ks[4], (1, 50), dtype=jnp.float32) * 0.05
    B_b = jnp.zeros((1,), dtype=jnp.float32)
    return {"students": students, "questions": questions, "Theta": Theta,
            "A_w": A_w, "A_b": A_b, "B_w": B_w, "B_b": B_b}


def reference(students, questions, Theta, A_w, A_b, B_w, B_b):
    # thetas = self.Theta(students)
    thetas = jnp.take(Theta, students, axis=0)  # [B, 500]
    # shared sigmoid(sum(questions, 1))
    s = jax.nn.sigmoid(jnp.sum(questions, axis=1))  # [B, 50]
    # a = self.A(s); torch Linear: s @ W.T + b
    a = s @ A_w.T + A_b  # [B, 500]
    # b = self.B(s)
    b = s @ B_w.T + B_b  # [B, 1]
    e = b.reshape(-1) + jnp.sum(thetas * a, axis=1)  # [B]
    res = jax.nn.sigmoid(jnp.exp(e) / (1.0 + jnp.exp(e)))
    return res.reshape(res.shape[0], -1)  # [B, 1]

if __name__ == "__main__":
    import jax
    _d = setup_inputs()
    print(jax.jit(kernel)(*tuple(_d.values())))

</pallas_src>

<mosaic_0001>
#map = affine_map<(d0, d1) -> (0)>
#map1 = affine_map<(d0, d1) -> (0, 0)>
module attributes {stable_mosaic.version = 14 : i64} {
  func.func @sc_gather(%arg0: i32, %arg1: i32, %arg2: memref<16384xi32, #tpu.memory_space<hbm>>, %arg3: memref<20000x128xf32, #tpu.memory_space<hbm>>, %arg4: memref<16384x128xf32, #tpu.memory_space<hbm>>, %arg5: memref<512xi32, #tpu.memory_space<vmem>>, %arg6: memref<512x128xf32, #tpu.memory_space<vmem>>, %arg7: memref<!tpu.dma_semaphore, #tpu.memory_space<semaphore_mem>>) attributes {dimension_semantics = [#tpu.dimension_semantics<core_parallel>, #tpu.dimension_semantics<subcore_parallel>], iteration_bounds = array<i64: 2, 16>, scalar_prefetch = 0 : i64, scratch_operands = 3 : i64, tpu.core_type = #tpu.core_type<sc_vector_subcore>, window_params = [{transform_indices = #map}, {transform_indices = #map1}, {transform_indices = #map1}]} {
    %mul3A = arith.constant 2 : i32
    %mul3A_0 = arith.muli %arg1, %mul3A : i32
    %add3A = arith.addi %mul3A_0, %arg0 : i32
    %mul3A_1 = arith.constant 512 : i32
    %mul3A_2 = arith.muli %add3A, %mul3A_1 : i32
    "tpu.region"() ({
      %run_scoped3A = tpu.sem_alloc : memref<!tpu.dma_semaphore, #tpu.memory_space<semaphore_mem>>
      %dma_start3A_7 = tpu.memref_slice %arg2[%mul3A_2] : memref<16384xi32, #tpu.memory_space<hbm>> -> memref<512xi32, #tpu.memory_space<hbm>>
      %dma_start3A_8 = tpu.memref_slice %arg2[%mul3A_2] : memref<16384xi32, #tpu.memory_space<hbm>> -> memref<512xi32, #tpu.memory_space<hbm>>
      tpu.enqueue_dma source(%dma_start3A_8 : memref<512xi32, #tpu.memory_space<hbm>>) target(%arg5 : memref<512xi32, #tpu.memory_space<vmem>>) target_semaphore(%run_scoped3A : memref<!tpu.dma_semaphore, #tpu.memory_space<semaphore_mem>>)
      %dma_wait3A_9 = tpu.memref_slice %arg2[%mul3A_2] : memref<16384xi32, #tpu.memory_space<hbm>> -> memref<512xi32, #tpu.memory_space<hbm>>
      %dma_wait3A_10 = tpu.memref_slice %arg2[%mul3A_2] : memref<16384xi32, #tpu.memory_space<hbm>> -> memref<512xi32, #tpu.memory_space<hbm>>
      tpu.wait_dma2 semaphore(%run_scoped3A : memref<!tpu.dma_semaphore, #tpu.memory_space<semaphore_mem>>) src(%dma_wait3A_10 : memref<512xi32, #tpu.memory_space<hbm>>) dst(%arg5 : memref<512xi32, #tpu.memory_space<vmem>>)
      tpu.yield
    }) : () -> ()
    %dma_start3A = arith.constant 0 : i32
    %dma_start3A_3 = arith.constant 0 : i32
    %dma_start3A_4 = tpu.memref_slice %arg3[%dma_start3A, %dma_start3A_3] : memref<20000x128xf32, #tpu.memory_space<hbm>> -> memref<20000x128xf32, #tpu.memory_space<hbm>>
    tpu.enqueue_indirect_dma source(%dma_start3A_4 : memref<20000x128xf32, #tpu.memory_space<hbm>>) target(%arg6 : memref<512x128xf32, #tpu.memory_space<vmem>>) offsets(%arg5 : memref<512xi32, #tpu.memory_space<vmem>>) semaphore(%arg7 : memref<!tpu.dma_semaphore, #tpu.memory_space<semaphore_mem>>)
    %dma_wait3A = arith.constant 0 : i32
    %dma_wait3A_5 = arith.constant 0 : i32
    %dma_wait3A_6 = tpu.memref_slice %arg3[%dma_wait3A, %dma_wait3A_5] : memref<20000x128xf32, #tpu.memory_space<hbm>> -> memref<20000x128xf32, #tpu.memory_space<hbm>>
    tpu.wait_indirect_dma semaphore(%arg7 : memref<!tpu.dma_semaphore, #tpu.memory_space<semaphore_mem>>) src(%dma_wait3A_6 : memref<20000x128xf32, #tpu.memory_space<hbm>>) dst(%arg6 : memref<512x128xf32, #tpu.memory_space<vmem>>)
    "tpu.region"() ({
      %run_scoped3A = tpu.sem_alloc : memref<!tpu.dma_semaphore, #tpu.memory_space<semaphore_mem>>
      %dma_start3A_7 = arith.constant 0 : i32
      %dma_start3A_8 = tpu.memref_slice %arg4[%mul3A_2, %dma_start3A_7] : memref<16384x128xf32, #tpu.memory_space<hbm>> -> memref<512x128xf32, #tpu.memory_space<hbm>>
      %dma_start3A_9 = arith.constant 0 : i32
      %dma_start3A_10 = tpu.memref_slice %arg4[%mul3A_2, %dma_start3A_9] : memref<16384x128xf32, #tpu.memory_space<hbm>> -> memref<512x128xf32, #tpu.memory_space<hbm>>
      tpu.enqueue_dma source(%arg6 : memref<512x128xf32, #tpu.memory_space<vmem>>) target(%dma_start3A_10 : memref<512x128xf32, #tpu.memory_space<hbm>>) target_semaphore(%run_scoped3A : memref<!tpu.dma_semaphore, #tpu.memory_space<semaphore_mem>>)
      %dma_wait3A_11 = arith.constant 0 : i32
      %dma_wait3A_12 = tpu.memref_slice %arg4[%mul3A_2, %dma_wait3A_11] : memref<16384x128xf32, #tpu.memory_space<hbm>> -> memref<512x128xf32, #tpu.memory_space<hbm>>
      %dma_wait3A_13 = arith.constant 0 : i32
      %dma_wait3A_14 = tpu.memref_slice %arg4[%mul3A_2, %dma_wait3A_13] : memref<16384x128xf32, #tpu.memory_space<hbm>> -> memref<512x128xf32, #tpu.memory_space<hbm>>
      tpu.wait_dma2 semaphore(%run_scoped3A : memref<!tpu.dma_semaphore, #tpu.memory_space<semaphore_mem>>) src(%arg6 : memref<512x128xf32, #tpu.memory_space<vmem>>) dst(%dma_wait3A_14 : memref<512x128xf32, #tpu.memory_space<hbm>>)
      tpu.yield
    }) : () -> ()
    return
  }
}

module attributes {stable_mosaic.version = 14 : i64} {
  func.func @_c_table_body(%arg0: i32, %arg1: memref<5000x500xf32, #tpu.memory_space<vmem>>, %arg2: memref<500x128xf32, #tpu.memory_space<vmem>>, %arg3: memref<5000x128xf32, #tpu.memory_space<vmem>>) attributes {dimension_semantics = [#tpu.dimension_semantics<arbitrary>], iteration_bounds = array<i64: 4>, scalar_prefetch = 0 : i64, scratch_operands = 0 : i64, tpu.core_type = #tpu.core_type<tc>, window_params = [{transform_indices = @transform_0, window_bounds = array<i64: 5000, 500>}, {pipeline_mode = #tpu.pipeline_mode<synchronous>, transform_indices = @transform_1, window_bounds = array<i64: 500, 128>}, {transform_indices = @transform_2, window_bounds = array<i64: 5000, 128>}]} {
    %get3A = arith.constant 0 : index
    %get3A_0 = arith.constant 0 : index
    %get3A_1 = vector.load %arg1[%get3A, %get3A_0] : memref<5000x500xf32, #tpu.memory_space<vmem>>, vector<5000x500xf32>
    %get3A_2 = arith.constant 0 : index
    %get3A_3 = arith.constant 0 : index
    %get3A_4 = vector.load %arg2[%get3A_2, %get3A_3] : memref<500x128xf32, #tpu.memory_space<vmem>>, vector<500x128xf32>
    %dot_general3A = arith.constant dense<0.000000e+00> : vector<5000x128xf32>
    %dot_general3A_5 = tpu.matmul %get3A_1, %get3A_4, %dot_general3A {dimension_numbers = #tpu.dot_dimension_numbers<[1], [0], [0], [1], [0, 0, 1, 1], [], []>, transpose_lhs_hint = false} : vector<5000x500xf32>, vector<500x128xf32>, vector<5000x128xf32> -> vector<5000x128xf32>
    %iota3A = tpu.iota {dimensions = array<i32: 1>} : vector<5000x128xi32>
    %eq3A = arith.constant 51 : i32
    %eq3A_6 = vector.broadcast %eq3A : i32 to vector<5000x128xi32>
    %eq3A_7 = arith.cmpi eq, %iota3A, %eq3A_6 : vector<5000x128xi32>
    %jit3A = arith.constant 1.000000e+00 : f32
    %broadcast_in_dim3A = vector.broadcast %jit3A : f32 to vector<5000x128xf32>
    %select_n3A = arith.select %eq3A_7, %broadcast_in_dim3A, %dot_general3A_5 : vector<5000x128xi1>, vector<5000x128xf32>
    %swap3A = arith.constant 0 : index
    %swap3A_8 = arith.constant 0 : index
    %swap3A_9 = vector.load %arg3[%swap3A, %swap3A_8] : memref<5000x128xf32, #tpu.memory_space<vmem>>, vector<5000x128xf32>
    tpu.vector_store %arg3[%swap3A, %swap3A_8], %select_n3A {strides = array<i32>} : memref<5000x128xf32, #tpu.memory_space<vmem>>, vector<5000x128xf32>,
    return
  }
  func.func @transform_0(%arg0: i32) -> (i32, i32) {
    %c0_i32 = arith.constant 0 : i32
    %c0_i32_0 = arith.constant 0 : i32
    return %arg0, %c0_i32 : i32, i32
  }
  func.func @transform_1(%arg0: i32) -> (i32, i32) {
    %c0_i32 = arith.constant 0 : i32
    %c0_i32_0 = arith.constant 0 : i32
    %c0_i32_1 = arith.constant 0 : i32
    return %c0_i32, %c0_i32_0 : i32, i32
  }
  func.func @transform_2(%arg0: i32) -> (i32, i32) {
    %c0_i32 = arith.constant 0 : i32
    %c0_i32_0 = arith.constant 0 : i32
    return %arg0, %c0_i32 : i32, i32
  }
}

module attributes {stable_mosaic.version = 14 : i64} {
  func.func @_fused_body(%arg0: i32, %arg1: memref<2048x1000xf32, #tpu.memory_space<vmem>>, %arg2: memref<1000x50xf32, #tpu.memory_space<vmem>>, %arg3: memref<128x1xf32, #tpu.memory_space<vmem>>, %arg4: memref<2048x128xf32, #tpu.memory_space<vmem>>, %arg5: memref<2048x1xf32, #tpu.memory_space<vmem>>) attributes {dimension_semantics = [#tpu.dimension_semantics<arbitrary>], iteration_bounds = array<i64: 8>, scalar_prefetch = 0 : i64, scratch_operands = 0 : i64, tpu.core_type = #tpu.core_type<tc>, window_params = [{transform_indices = @transform_0, window_bounds = array<i64: 2048, 1000>}, {pipeline_mode = #tpu.pipeline_mode<synchronous>, transform_indices = @transform_1, window_bounds = array<i64: 1000, 50>}, {pipeline_mode = #tpu.pipeline_mode<synchronous>, transform_indices = @transform_2, window_bounds = array<i64: 128, 1>}, {transform_indices = @transform_3, window_bounds = array<i64: 2048, 128>}, {transform_indices = @transform_4, window_bounds = array<i64: 2048, 1>}]} {
    %get3A = arith.constant 0 : index
    %get3A_0 = arith.constant 0 : index
    %get3A_1 = vector.load %arg1[%get3A, %get3A_0] : memref<2048x1000xf32, #tpu.memory_space<vmem>>, vector<2048x1000xf32>
    %get3A_2 = arith.constant 0 : index
    %get3A_3 = arith.constant 0 : index
    %get3A_4 = vector.load %arg2[%get3A_2, %get3A_3] : memref<1000x50xf32, #tpu.memory_space<vmem>>, vector<1000x50xf32>
    %dot_general3A = arith.constant dense<0.000000e+00> : vector<2048x50xf32>
    %dot_general3A_5 = tpu.matmul %get3A_1, %get3A_4, %dot_general3A {dimension_numbers = #tpu.dot_dimension_numbers<[1], [0], [0], [1], [0, 0, 1, 1], [], []>, transpose_lhs_hint = false} : vector<2048x1000xf32>, vector<1000x50xf32>, vector<2048x50xf32> -> vector<2048x50xf32>
    %logistic3A = arith.negf %dot_general3A_5 : vector<2048x50xf32>
    %logistic3A_6 = math.exp %logistic3A : vector<2048x50xf32>
    %logistic3A_7 = arith.constant 1.000000e+00 : f32
    %logistic3A_8 = vector.broadcast %logistic3A_7 : f32 to vector<2048x50xf32>
    %logistic3A_9 = arith.addf %logistic3A_8, %logistic3A_6 : vector<2048x50xf32>
    %logistic3A_10 = arith.divf %logistic3A_8, %logistic3A_9 : vector<2048x50xf32>
    %broadcast_in_dim3A = arith.constant 1.000000e+00 : f32
    %broadcast_in_dim3A_11 = vector.broadcast %broadcast_in_dim3A : f32 to vector<2048x1xf32>
    %broadcast_in_dim3A_12 = arith.constant 0.000000e+00 : f32
    %broadcast_in_dim3A_13 = vector.broadcast %broadcast_in_dim3A_12 : f32 to vector<2048x77xf32>
    %concatenate3A = tpu.concatenate %logistic3A_10, %broadcast_in_dim3A_11, %broadcast_in_dim3A_13 in 1 : vector<2048x50xf32>, vector<2048x1xf32>, vector<2048x77xf32> -> vector<2048x128xf32>
    %get3A_14 = arith.constant 0 : index
    %get3A_15 = arith.constant 0 : index
    %get3A_16 = vector.load %arg3[%get3A_14, %get3A_15] : memref<128x1xf32, #tpu.memory_space<vmem>>, vector<128x1xf32>
    %dot_general3A_17 = arith.constant dense<0.000000e+00> : vector<2048x1xf32>
    %dot_general3A_18 = tpu.matmul %concatenate3A, %get3A_16, %dot_general3A_17 {dimension_numbers = #tpu.dot_dimension_numbers<[1], [0], [0], [1], [0, 0, 1, 1], [], []>, transpose_lhs_hint = false} : vector<2048x128xf32>, vector<128x1xf32>, vector<2048x1xf32> -> vector<2048x1xf32>
    %iota3A = tpu.iota {dimensions = array<i32: 1>} : vector<2048x128xi32>
    %eq3A = arith.constant 51 : i32
    %eq3A_19 = vector.broadcast %eq3A : i32 to vector<2048x128xi32>
    %eq3A_20 = arith.cmpi eq, %iota3A, %eq3A_19 : vector<2048x128xi32>
    %broadcast_in_dim3A_21 = vector.shape_cast %dot_general3A_18 : vector<2048x1xf32> to vector<2048x1xf32>
    %broadcast_in_dim3A_22 = vector.broadcast %broadcast_in_dim3A_21 : vector<2048x1xf32> to vector<2048x128xf32>
    %select_n3A = arith.select %eq3A_20, %broadcast_in_dim3A_22, %concatenate3A : vector<2048x128xi1>, vector<2048x128xf32>
    %get3A_23 = arith.constant 0 : index
    %get3A_24 = arith.constant 0 : index
    %get3A_25 = vector.load %arg4[%get3A_23, %get3A_24] : memref<2048x128xf32, #tpu.memory_space<vmem>>, vector<2048x128xf32>
    %mul3A = arith.mulf %get3A_25, %select_n3A : vector<2048x128xf32>
    %reduce_sum3A = arith.constant dense<0.000000e+00> : vector<2048xf32>
    %reduce_sum3A_26 = vector.multi_reduction <add>, %mul3A, %reduce_sum3A [1] : vector<2048x128xf32> to vector<2048xf32>
    %broadcast_in_dim3A_27 = vector.shape_cast %reduce_sum3A_26 : vector<2048xf32> to vector<2048x1xf32>
    %exp3A = math.exp %broadcast_in_dim3A_27 : vector<2048x1xf32>
    %add3A = arith.constant 1.000000e+00 : f32
    %add3A_28 = vector.broadcast %add3A : f32 to vector<2048x1xf32>
    %add3A_29 = arith.addf %add3A_28, %exp3A : vector<2048x1xf32>
    %div3A = arith.divf %exp3A, %add3A_29 : vector<2048x1xf32>
    %neg3A = arith.constant 0.000000e+00 : f32
    %neg3A_30 = vector.broadcast %neg3A : f32 to vector<2048x1xf32>
    %neg3A_31 = arith.subf %neg3A_30, %div3A : vector<2048x1xf32>
    %exp3A_32 = math.exp %neg3A_31 : vector<2048x1xf32>
    %add3A_33 = arith.constant 1.000000e+00 : f32
    %add3A_34 = vector.broadcast %add3A_33 : f32 to vector<2048x1xf32>
    %add3A_35 = arith.addf %add3A_34, %exp3A_32 : vector<2048x1xf32>
    %div3A_36 = arith.constant 1.000000e+00 : f32
    %div3A_37 = vector.broadcast %div3A_36 : f32 to vector<2048x1xf32>
    %div3A_38 = arith.divf %div3A_37, %add3A_35 : vector<2048x1xf32>
    %swap3A = arith.constant 0 : index
    %swap3A_39 = arith.constant 0 : index
    %swap3A_40 = vector.load %arg5[%swap3A, %swap3A_39] : memref<2048x1xf32, #tpu.memory_space<vmem>>, vector<2048x1xf32>
    tpu.vector_store %arg5[%swap3A, %swap3A_39], %div3A_38 {strides = array<i32>} : memref<2048x1xf32, #tpu.memory_space<vmem>>, vector<2048x1xf32>,
    return
  }
  func.func @transform_0(%arg0: i32) -> (i32, i32) {
    %c0_i32 = arith.constant 0 : i32
    %c0_i32_0 = arith.constant 0 : i32
    return %arg0, %c0_i32 : i32, i32
  }
  func.func @transform_1(%arg0: i32) -> (i32, i32) {
    %c0_i32 = arith.constant 0 : i32
    %c0_i32_0 = arith.constant 0 : i32
    %c0_i32_1 = arith.constant 0 : i32
    return %c0_i32, %c0_i32_0 : i32, i32
  }
  func.func @transform_2(%arg0: i32) -> (i32, i32) {
    %c0_i32 = arith.constant 0 : i32
    %c0_i32_0 = arith.constant 0 : i32
    %c0_i32_1 = arith.constant 0 : i32
    return %c0_i32, %c0_i32_0 : i32, i32
  }
  func.func @transform_3(%arg0: i32) -> (i32, i32) {
    %c0_i32 = arith.constant 0 : i32
    %c0_i32_0 = arith.constant 0 : i32
    return %arg0, %c0_i32 : i32, i32
  }
  func.func @transform_4(%arg0: i32) -> (i32, i32) {
    %c0_i32 = arith.constant 0 : i32
    %c0_i32_0 = arith.constant 0 : i32
    return %arg0, %c0_i32 : i32, i32
  }
}

</mosaic_0001>

<sc_bundles>
// kernel: kernel.5.cloned.1.call-start
scs
__scs_entry_jumppad:
0x0: {  	(pc) =	sbr.rel $0x88, $3  }
0x1: {  	(tag) =	ssettag $0x0;
	lr =	simm.s32 $0x1  }
0x2: {  	[smem:$0x3F9A] =	sst lr;
	_ =	strace $0xD0000000  }
0x3: {  	_ = 	snop  }
0x4: {  	_ = 	snop  }
0x5: {  	_ = 	snop  }
0x6: {  	_ = 	snop  }
0x7: {  	_ = 	snop  }
__scs_overlays_trampoline_lowered:
0x8: {  	[smem:$0x3FA9] =	sst s0  }
0x9: {  	[smem:$0x3FAA] =	sst s1  }
0xa: {  	[smem:$0x3FAB] =	sst s2  }
0xb: {  	[smem:$0x3FAC] =	sst s3  }
0xc: {  	[smem:$0x3FAD] =	sst s4  }
0xd: {  	[smem:$0x3FAE] =	sst s5  }
0xe: {  	[smem:$0x3FAF] =	sst s6  }
0xf: {  	[smem:$0x3FB0] =	sst s7  }
0x10: {  	[smem:$0x3FB1] =	sst s8  }
0x11: {  	[smem:$0x3FB2] =	sst s9;
	s0 =	simm.s32 @!p0 $0x0  }
0x12: {  	s1 =	sld [smem:$0x3F98];
	s0 =	simm.s32 @p0 $0x1  }
0x13: {  	[smem:$0x3FB3] =	sst s0;
	s0 =	simm.s32 @!p1 $0x0  }
0x14: {  	s2 =	sld [smem:$0x3F97];
	s0 =	simm.s32 @p1 $0x1  }
0x15: {  	[smem:$0x3FB4] =	sst s0;
	s0 =	simm.s32 @!p2 $0x0  }
0x16: {  	s3 =	sld [smem:$0x3FDB];
	s0 =	simm.s32 @p2 $0x1  }
0x17: {  	s4 =	simm.s32 $0x1BF5;
	[smem:$0x3FB6] =	sst s0  }
0x18: {  	s0 =	sld [smem:$0x3F99];
	_ =	swait.ge [sflag:s4], $0x0  }
0x19: {  	s7 =	sld [smem:$0x3F9A]  }
0x1a: {  	s8 =	sadd.s32 $0xFFFFE003, lr  }
0x1b: {  	s9 =	sadd.s32 $0xFFFFFEF7, lr;
	s5 =	simm.s32 $0xFFFFFFFF;
	p2 =	slt.u32 s8, $0xFFFFF086  }
0x1c: {  	p1 =	slt.u32 s9, $0xF7A;
	s5 =	simm.s32 @!p2 $0x0  }
0x1d: {  	s5 =	simm.s32 @p1 $0x1;
	p0 =	seq.s32 s7, s2  }
0x1e: {  	s7 =	smul.u32 @!p0 $0xF7A, s2;
	p2 =	seq.s32 @!p0 s5, $0x0  }
0x1f: {  	s9 =	smul.u32 $0xF7A, s1;
	s8 =	simm.s32 @!p0 $0x1BF5;
	p2 =	por !p2, p0  }
0x20: {  	[sflag:s8] =	ssyncset.s32 @!p0 $0xFFFFF086;
	s6 =	sadd.s32 @!p0 s3, s7;
	s7 =	simm.s32 @!p0 $0x108  }
0x21: {  	s3 =	sadd.s32 s3, s9;
	s6 =	sadd.s32 @!p0 $0x88, s6;
	s7 =	simm.s32 @p2 $0x1082  }
0x22: {  	[simem:s7], [sflag:s8] =	dma.local @!p0 [hbm:s6], $0xF7A  }
0x23: {  	s9 =	sor.u32 $0xD0000000, s2;
	s6 =	simm.s32 $0x108;
	_ =	swait.ge @!p0 [sflag:s8], $0x0  }
0x24: {  	s3 =	sadd.s32 $0x88, s3;
	s6 =	simm.s32 @!p1 $0x1082;
	[sflag:s4] =	ssyncset.s32 $0xFFFFF086  }
0x25: {  	[simem:s6], [sflag:s4] =	dma.local [hbm:s3], $0xF7A  }
0x26: {  	[smem:$0x3F9A] =	sst s1;
	(tag) =	ssettag s2;
	_ =	strace s9  }
0x27: {  	s1 =	sld [smem:$0x3FAA]  }
0x28: {  	s2 =	sld [smem:$0x3FAB]  }
0x29: {  	s4 =	sld [smem:$0x3FAD]  }
0x2a: {  	p0 =	seq.s32 s5, $0x0;
	s5 =	sld [smem:$0x3FAE]  }
0x2b: {  	s6 =	sld [smem:$0x3FAF]  }
0x2c: {  	s7 =	sld [smem:$0x3FB0]  }
0x2d: {  	s3 =	simm.s32 $0x108;
	s8 =	sld [smem:$0x3FB1]  }
0x2e: {  	s3 =	simm.s32 @!p0 $0x1082;
	s9 =	sld [smem:$0x3FB2]  }
0x2f: {  	lr =	sadd.s32 s0, s3;
	s0 =	sld [smem:$0x3FA9]  }
0x30: {  	s3 =	sld [smem:$0x3FAC]  }
0x31: {  	[smem:$0x3FB5] =	sst s10  }
0x32: {  	s10 =	sld [smem:$0x3FB3];
	_ =	sdelay $0x3  }
0x33: {  	p0 =	seq.s32 s10, $0x1;
	s10 =	sld [smem:$0x3FB5];
	_ =	sdelay $0x3  }
0x34: {  	[smem:$0x3FB5] =	sst s10  }
0x35: {  	s10 =	sld [smem:$0x3FB4];
	_ =	sdelay $0x3  }
0x36: {  	p1 =	seq.s32 s10, $0x1;
	s10 =	sld [smem:$0x3FB5];
	_ =	sdelay $0x3  }
0x37: {  	[smem:$0x3FB5] =	sst s10  }
0x38: {  	s10 =	sld [smem:$0x3FB6]  }
0x39: {  	_ = 	snop;
	(pc) =	sbr.ind lr, $3  }
0x3a: {  	_ = 	snop  }
0x3b: {  	_ = 	snop  }
0x3c: {  	p2 =	seq.s32 s10, $0x1;
	s10 =	sld [smem:$0x3FB5]  }
0x3d: {  	_ =	shalt  }
0x3e: {  	_ =	shalt  }
0x3f: {  	_ =	shalt  }
0x40: {  	_ =	shalt  }
0x41: {  	_ =	shalt  }
0x42: {  	_ =	shalt  }
0x43: {  	_ =	shalt  }
0x44: {  	_ =	shalt  }
0x45: {  	_ =	shalt  }
0x46: {  	_ =	shalt  }
0x47: {  	_ =	shalt  }
0x48: {  	_ =	shalt  }
0x49: {  	_ =	shalt  }
0x4a: {  	_ =	shalt  }
0x4b: {  	_ =	shalt  }
0x4c: {  	_ =	shalt  }
0x4d: {  	_ =	shalt  }
0x4e: {  	_ =	shalt  }
0x4f: {  	_ =	shalt  }
0x50: {  	_ =	shalt  }
0x51: {  	_ =	shalt  }
0x52: {  	_ =	shalt  }
0x53: {  	_ =	shalt  }
0x54: {  	_ =	shalt  }
0x55: {  	_ =	shalt  }
0x56: {  	_ =	shalt  }
0x57: {  	_ =	shalt  }
0x58: {  	_ =	shalt  }
0x59: {  	_ =	shalt  }
0x5a: {  	_ =	shalt  }
0x5b: {  	_ =	shalt  }
0x5c: {  	_ =	shalt  }
0x5d: {  	_ =	shalt  }
0x5e: {  	_ =	shalt  }
0x5f: {  	_ =	shalt  }
0x60: {  	_ =	shalt  }
0x61: {  	_ =	shalt  }
0x62: {  	_ =	shalt  }
0x63: {  	_ =	shalt  }
0x64: {  	_ =	shalt  }
0x65: {  	_ =	shalt  }
0x66: {  	_ =	shalt  }
0x67: {  	_ =	shalt  }
0x68: {  	_ =	shalt  }
0x69: {  	_ =	shalt  }
0x6a: {  	_ =	shalt  }
0x6b: {  	_ =	shalt  }
0x6c: {  	_ =	shalt  }
0x6d: {  	_ =	shalt  }
0x6e: {  	_ =	shalt  }
0x6f: {  	_ =	shalt  }
0x70: {  	_ =	shalt  }
0x71: {  	_ =	shalt  }
0x72: {  	_ =	shalt  }
0x73: {  	_ =	shalt  }
0x74: {  	_ =	shalt  }
0x75: {  	_ =	shalt  }
0x76: {  	_ =	shalt  }
0x77: {  	_ =	shalt  }
0x78: {  	_ =	shalt  }
0x79: {  	_ =	shalt  }
0x7a: {  	_ =	shalt  }
0x7b: {  	_ =	shalt  }
0x7c: {  	_ =	shalt  }
0x7d: {  	_ =	shalt  }
0x7e: {  	_ =	shalt  }
0x7f: {  	_ =	shalt  }
0x80: {  	_ =	shalt  }
0x81: {  	_ =	shalt  }
0x82: {  	_ =	shalt  }
0x83: {  	_ =	shalt  }
0x84: {  	_ =	shalt  }
0x85: {  	_ =	shalt  }
0x86: {  	_ =	shalt  }
0x87: {  	_ =	shalt  }
.Lfunc_end0:
.L_simem_size_0:
called_computation_lowered:
.L_overlay_start_0:
0x88: {  	s2 =	sld [smem:$0x3FD9]  }
0x89: {  	s3 =	sld [smem:$0x3FFE];
	_ =	sdelay $0x1  }
0x8a: {  	s1 =	srdreg.scid  }
0x8b: {  	s0 =	sand.u32 $0x1, s1  }
0x8c: {  	s17 =	sshll.u32 s0, $0xA;
	s2 =	sadd.s32 s3, s2  }
0x8d: {  	s2 =	sadd.s32 s2, s17  }
0x8e: {  	[smem:$0x3FC1] =	sst s2  }
0x8f: {  	_ = 	snop  }
0x90: {  	s2 =	sld [smem:$0x3FC9];
	(tm) =	ssettm $0x1  }
0x91: {  	s18 =	sld [smem:$0x3FFB];
	_ =	sdelay $0x3  }
0x92: {  	_ =	strace s18  }
0x93: {  	s3 =	sld [smem:$0x3FFC];
	_ =	sdelay $0x3  }
0x94: {  	_ =	strace s3  }
0x95: {  	s3 =	sld [smem:$0x3FFD];
	_ =	sdelay $0x3  }
0x96: {  	_ =	strace s3  }
0x97: {  	_ =	strace $0x8FFFFFFF  }
0x98: {  	s19 =	sld [smem:$0x3FDB];
	_ =	sdelay $0x1  }
0x99: {  	s4 =	simm.s32 $_scs_section_size  }
0x9a: {  	s5 =	simm.s32 $_size__tile_overlayer_lowered;
	s6 =	simm.s32 $_tile_overlayer_lowered  }
0x9b: {  	s22 =	simm.s32 $0x1BFF;
	s21 =	sshll.u32 s6, $0x1;
	s3 =	sadd.s32 s4, s19  }
0x9c: {  	s7 =	simm.s32 $0x0;
	s20 =	sshll.u32 s5, $0x1;
	s5 =	sadd.s32 s21, s3  }
0x9d: {  	[timem:s7], [sflag:s22] =	dma.local [hbm:s5], s20  }
0x9e: {  	_ =	swait.ge [sflag:s22], s20  }
0x9f: {  	s4 =	ssub.s32 $0x0, s20;
	[sflag:s22] =	ssyncset.done $0x0  }
0xa0: {  	[sflag:s22] =	ssyncadd.s32 s4;
	_ =	sdelay $0x1  }
0xa1: {  	s23 =	simm.s32 $0x1B8B  }
0xa2: {  	_ =	swait.ge [sflag:s23], $0x1  }
0xa3: {  	[sflag:s23] =	ssyncset.done $0x0  }
0xa4: {  	s25 =	simm.s32 $0x1B8E;
	s24 =	sld [smem:$0x3FFE];
	[sflag:s23] =	ssyncadd.s32 $0xFFFFFFFF  }
0xa5: {  	s26 =	simm.s32 $execute0_lowered;
	[smem:$0x3FD2] =	sst s25  }
0xa6: {  	s5 =	sshll.u32 s26, $0x1;
	_ =	strace $0x80000046;
	[dreg:$0x1] =	wrdreg $0xFFFFFFFF  }
0xa7: {  	s28 =	simm.s32 $_size_execute0_lowered;
	s3 =	sadd.s32 s3, s5;
	[dreg:$0x0] =	wrdreg $0x0  }
0xa8: {  	s5 =	sshll.u32 s28, $0x1;
	[dreg:$0x2] =	wrdreg s3  }
0xa9: {  	[dreg:$0x3] =	wrdreg s5  }
0xaa: {  	[dreg:$0x4] =	wrdreg $0xC0  }
0xab: {  	_ =	task [dreg:s7], $0x5FFFF  }
0xac: {  	[dreg:$0x1] =	wrdreg $0xFFFFFFFF  }
0xad: {  	[dreg:$0x0] =	wrdreg $0x60  }
0xae: {  	[dreg:$0x2] =	wrdreg s2  }
0xaf: {  	[dreg:$0x3] =	wrdreg s24  }
0xb0: {  	[dreg:$0x4] =	wrdreg $0x9  }
0xb1: {  	_ =	task.clear_ibuf [dreg:s7], $0x5FFFF;
	_ =	strace $0x90000046  }
0xb2: {  	s29 =	simm.s32 $0x9;
	_ =	strace $0x80000048  }
0xb3: {  	_ =	swait.ge [sflag:s29], $0x1  }
0xb4: {  	[sflag:s29] =	ssyncadd.s32 $0xFFFFFFFF  }
0xb5: {  	_ =	strace $0x90000048  }
0xb6: {  	_ =	sfence  }
0xb7: {  	s30 =	sld [smem:$0x0];
	_ =	sdelay $0x2  }
0xb8: {  	s31 =	sshll.u32 s1, $0xD;
	s1 =	sshrl.u32 s1, $0x2  }
0xb9: {  	s3 =	sand.u32 $0x4000, s31;
	s1 =	sadd.s32 s1, s30  }
0xba: {  	s0 =	sor.u32 s3, s0;
	s1 =	sshll.u32 s1, $0x11  }
0xbb: {  	s0 =	sor.u32 s1, s0  }
0xbc: {  	s0 =	sadd.s32 $0x8F2B, s0  }
0xbd: {  	[sflag:s0] =	ssyncadd.remote.s32 $0x1  }
0xbe: {  	_ =	sfence.sel $0xFFFF  }
0xbf: {  	[dreg:$0x0] =	wrdreg $0xFFFFFFFF;
	(pc) =	sbr.abs _section_cstart, $3  }
0xc0: {  	[dreg:$0x1] =	wrdreg $0xFFFFFFFF  }
0xc1: {  	_ =	task.clear_ibuf [dreg:s7], $0x2FFFF;
	_ =	strace $0x9FFFFFFF  }
0xc2: {  	(tm) =	ssettm $0x7FFFFFFF  }
0xc3: {  	_ =	shalt  }
tec
execute0_lowered:
.L_overlay_start_1:
0x0: {  	(tag) =	ssettag $0x1  }
0x1: {  	s1 =	srdreg.scid  }
0x2: {  	s3 =	rddreg [dreg:$0x0];
	s0 =	stileid.u32  }
0x3: {  	s8 =	rddreg [dreg:$0x1];
	s2 =	simm.s32 $0x0;
	s6 =	sand.u32 $0x1, s1  }
0x4: {  	s4 =	sshll.u32 s0, $0xA;
	s1 =	rddreg [dreg:$0x2];
	s5 =	sshll.u32 s6, $0x9  }
0x5: {  	s7 =	simm.s32 $0x1;
	[smem:$0x7FF] =	sst s2;
	s9 =	sor.u32 s5, s4  }
0x6: {  	_ =	strace $0x80000047;
	s10 =	ssub.s32 $0x2, s6;
	s4 =	sshrl.u32 s9, $0x3  }
0x7: {  	s6 =	simm.s32 $0x200;
	s4 =	sadd.s32 s3, s4;
	s3 =	simm.s32 $0x2  }
0x8: {  	[tilespmem:s2], [sflag:$0x2] =	stream.linear.gather [hbm4b:s4+s2], $0x200, $0x38;
	[tilespmem:$0x10200] =	vst v63  }
0x9: {  	s5 =	sadd.s32 $0x1000, s8;
	s11 =	sshrl.u32 s10, $0x1;
	_ =	swait.ge [sflag:s3], $0x200  }
0xa: {  	s9 =	sshll.u32 s9, $0x4;
	s31 =	ssub.s32 s10, s11;
	[sflag:s3] =	ssyncset.done $0x0  }
0xb: {  	s8 =	sadd.s32 s9, s8;
	s9 =	smax.u32 s31, $0x1;
	[sflag:s3] =	ssyncadd.s32 $0xFFFFFE00  }
0xc: {  	[tilespmem:s6], [sflag:$0x1] =	stream.indirect.gather [hbm4b:s5+s6], $0x80, s2, s6, $0xb8;
	[tilespmem:$0x10200] =	vst v63  }
0xd: {  	p0 =	sne.s32 s9, $0x1;
	_ =	swait.ge [sflag:s7], $0x10000  }
.Ltmp0:
0xe: {  	[sflag:s7] =	ssyncset.done $0x0;
	(pc) =	sbr.rel @!p0 .LBB2_2-.Ltmp0, $4  }
0xf: {  	s8 =	sadd.s32 $0x4F200, s8;
	[sflag:s7] =	ssyncadd.s32 $0xFFFF0000  }
0x10: {  	[hbm4b:s8+s2] =	stream.linear.scatter [tilespmem:s6], [sflag:$0x2], $0x10000, $0x38;
	[tilespmem:$0x10200] =	vst v63  }
0x11: {  	_ =	swait.ge [sflag:s3], $0x10000  }
0x12: {  	s9 =	sadd.s32 $0xFFFFFFFF, s9;
	[sflag:s3] =	ssyncset.done $0x0  }
.LBB2_1:
0x13: {  	p0 =	sne.s32 s9, $0x1;
	s9 =	sadd.s32 $0xFFFFFFFF, s9;
	[sflag:s3] =	ssyncadd.s32 $0xFFFF0000  }
0x14: {  	[tilespmem:s2], [sflag:$0x2] =	stream.linear.gather [hbm4b:s4+s2], $0x200, $0x38;
	[tilespmem:$0x10200] =	vst v63  }
0x15: {  	_ =	swait.ge [sflag:s3], $0x200  }
0x16: {  	[sflag:s3] =	ssyncset.done $0x0  }
0x17: {  	[sflag:s3] =	ssyncadd.s32 $0xFFFFFE00  }
0x18: {  	[tilespmem:s6], [sflag:$0x1] =	stream.indirect.gather [hbm4b:s5+s6], $0x80, s2, s6, $0xb8;
	[tilespmem:$0x10200] =	vst v63  }
0x19: {  	_ =	swait.ge [sflag:s7], $0x10000  }
.Ltmp1:
0x1a: {  	[sflag:s7] =	ssyncset.done $0x0;
	(pc) =	sbr.rel @p0 .LBB2_1-.Ltmp1, $4  }
0x1b: {  	[sflag:s7] =	ssyncadd.s32 $0xFFFF0000  }
0x1c: {  	[hbm4b:s8+s2] =	stream.linear.scatter [tilespmem:s6], [sflag:$0x2], $0x10000, $0x38;
	[tilespmem:$0x10200] =	vst v63  }
0x1d: {  	_ =	swait.ge [sflag:s3], $0x10000  }
0x1e: {  	[sflag:s3] =	ssyncset.done $0x0  }
.LBB2_2:
0x1f: {  	[sflag:s3] =	ssyncadd.s32 $0xFFFF0000  }
0x20: {  	_ =	sfence.sel $0x180000  }
0x21: {  	[bflag:$0x0] =	sbarrier.arrive $0xFFFF  }
0x22: {  	p0 =	sne.s32 s0, $0x0;
	_ =	strace $0x90000047  }
0x23: {  	s0 =	sadd.s32 @!p0 $0x100000, s1;
	[bflag:$0x2] =	sbarrier.arrive $0xFFFF  }
0x24: {  	[sflag:s0] =	ssyncadd.tile.s32 @!p0 $0x1;
	_ =	shalt  }
.Lfunc_end2:
_tile_overlayer_lowered:
.L_overlay_start_2:
0x25: {  	(tag) =	ssettag $0x2  }
0x26: {  	s0 =	rddreg [dreg:$0x0];
	s2 =	stileid.u32  }
0x27: {  	s1 =	rddreg [dreg:$0x1];
	p0 =	sne.s32 s2, $0x0  }
0x28: {  	s3 =	rddreg [dreg:$0x2];
	[bflag:$0x3] =	sbarrier.arrive $0xFFFF;
	s2 =	simm.s32 @!p0 $0x1C02  }
0x29: {  	[timem:s3], [sflag:s2] =	dma.local @!p0 [hbm:s0], s1  }
0x2a: {  	s0 =	simm.s32 @!p0 $0x2  }
0x2b: {  	_ =	swait.ge @!p0 [sflag:s0], s1  }
0x2c: {  	s1 =	ssub.s32 @!p0 $0x0, s1;
	[sflag:s0] =	ssyncset.done @!p0 $0x0  }
0x2d: {  	[sflag:s0] =	ssyncadd.s32 @!p0 s1  }
0x2e: {  	[bflag:$0x3] =	sbarrier.arrive $0xFFFF  }
0x2f: {  	_ =	shalt  }

</sc_bundles>
